<compile_context>
chip_gen: v7x
topology: tpu7x:2x2x1
jax: 0.10.2.dev20260603
libtpu: 0.0.44.dev20260713+nightly
codegen_flags: <defaults>
</compile_context>

<pallas_src>
import jax
import jax.numpy as jnp
from jax import lax
from jax.experimental import pallas as pl
from jax.experimental.pallas import tpu as pltpu

_EMB_HID = 6
_NFIELDS = 6
_NVALS = 8
_TN = 1024
_UN = 16384
_KBLK = 2048
_KB4 = 4 * _KBLK


def _emb_kernel(v_ref, m_ref, e_ref, out_ref, acc_ref):
    k = pl.program_id(0)
    nk = pl.num_programs(0)

    @pl.when(k == 0)
    def _init():
        acc_ref[...] = jnp.zeros_like(acc_ref)

    pat = (lax.broadcasted_iota(jnp.int32, (1, 64), 1) & 7).astype(jnp.int8)
    onehot4 = (v_ref[...] == pat).astype(jnp.int8)

    acc_ref[...] += jnp.dot(m_ref[...], onehot4,
                            preferred_element_type=jnp.int32)

    @pl.when(k == nk - 1)
    def _finalize():
        acc = acc_ref[...].astype(jnp.float32)
        counts = jnp.maximum(acc[:, 48:49], 1.0)
        temb = jnp.dot(acc[:, :48], e_ref[...],
                       preferred_element_type=jnp.float32)
        out_ref[...] = temb / counts


@jax.jit
def kernel(T_static, U_static, team_user_matrix,
           emb0, emb1, emb2, emb3, emb4, emb5):
    tables = [emb0, emb1, emb2, emb3, emb4, emb5]
    zrow = jnp.zeros((1, _EMB_HID), dtype=jnp.float32)
    rows = [jnp.concatenate([t[:7], zrow], axis=0) for t in tables]
    eblocks = []
    for i, r in enumerate(rows):
        left = jnp.zeros((_NVALS, i * _EMB_HID), dtype=jnp.float32)
        right = jnp.zeros(
            (_NVALS, (_NFIELDS - 1 - i) * _EMB_HID), dtype=jnp.float32)
        eblocks.append(jnp.concatenate([left, r, right], axis=1))
    E = jnp.concatenate(eblocks, axis=0)

    fields_ext = jnp.concatenate(
        [U_static,
         jnp.zeros((_UN, 1), dtype=U_static.dtype),
         jnp.full((_UN, 1), -1, dtype=U_static.dtype)], axis=1)
    v8 = jnp.repeat(fields_ext, _NVALS, axis=1).astype(jnp.int8)
    v8 = jnp.repeat(v8, 4, axis=0)

    m8 = lax.bitcast_convert_type(team_user_matrix, jnp.int8)
    m8 = m8.reshape(_TN, 4 * _UN)

    nk = _UN // _KBLK
    temb = pl.pallas_call(
        _emb_kernel,
        grid=(nk,),
        in_specs=[
            pl.BlockSpec((_KB4, 64), lambda k: (k, 0)),
            pl.BlockSpec((_TN, _KB4), lambda k: (0, k)),
            pl.BlockSpec((48, _NFIELDS * _EMB_HID), lambda k: (0, 0)),
        ],
        out_specs=pl.BlockSpec((_TN, _NFIELDS * _EMB_HID), lambda k: (0, 0)),
        out_shape=jax.ShapeDtypeStruct((_TN, _NFIELDS * _EMB_HID),
                                       jnp.float32),
        scratch_shapes=[pltpu.VMEM((_TN, 64), jnp.int32)],
    )(v8, m8, E)

    return jnp.concatenate([T_static, temb], axis=-1)

# --- scband reference (transcript-rebuilt; emitter-appended) ---
"""Pipeline reference for scband-feature-emb-6107443495191 (READ-ONLY COPY).

The authoritative reference and input builder live on the scoring server;
editing this copy changes nothing except your own understanding.
"""

import jax, jax.numpy as jnp
import numpy as np

FEATURE_LIST = [222, 27, 373, 283, 26, 7]
EMB_HID = 6
TN, TF = 1024, 64
UN, UF = 16384, 6


def setup_inputs(seed: int = 0) -> dict:
    key = jax.random.key(seed)
    ks = jax.random.split(key, 3 + len(FEATURE_LIST))
    T_static = jax.random.normal(ks[0], (TN, TF), dtype=jnp.float32)
    U_static = jax.random.randint(ks[1], (UN, UF), 0, 7).astype(jnp.int32)
    team_user_matrix = jax.random.randint(ks[2], (TN, UN), 0, 2).astype(jnp.int32)
    inp = {"T_static": T_static, "U_static": U_static, "team_user_matrix": team_user_matrix}
    gain = float(np.sqrt(2.0))
    for i, fs in enumerate(FEATURE_LIST):
        bound = gain * float(np.sqrt(6.0 / (fs + EMB_HID)))
        inp[f"emb{i}"] = jax.random.uniform(ks[3 + i], (fs, EMB_HID), minval=-bound, maxval=bound, dtype=jnp.float32)
    return inp


def reference(T_static, U_static, team_user_matrix, emb0, emb1, emb2, emb3, emb4, emb5):
    tables = [emb0, emb1, emb2, emb3, emb4, emb5]
    # per-field embedding lookups, concatenated -> [UN, 6*EMB_HID]
    U_static_emb = jnp.concatenate([jnp.take(tables[i], U_static[:, i], axis=0) for i in range(len(tables))], axis=-1)
    # For each team i, mean of user embeddings where team_user_matrix[i, :] == 1.
    # Equivalent to masked matmul divided by per-team member count.
    mask = (team_user_matrix == 1).astype(U_static_emb.dtype)
    counts = jnp.maximum(mask.sum(axis=1, keepdims=True), 1.0)
    T_static_emb = (mask @ U_static_emb) / counts  # [TN, 6*EMB_HID]
    # flag == 0 path
    X_static_emb = jnp.concatenate([T_static, T_static_emb], axis=-1)  # [TN, TF + 6*EMB_HID]
    return X_static_emb

if __name__ == "__main__":
    import jax
    _d = setup_inputs()
    print(jax.jit(kernel)(*tuple(_d.values())))

</pallas_src>

<mosaic_0001>
module attributes {stable_mosaic.version = 14 : i64} {
  func.func @_emb_kernel(%arg0: i32, %arg1: memref<8192x64xi8, #tpu.memory_space<vmem>>, %arg2: memref<1024x8192xi8, #tpu.memory_space<vmem>>, %arg3: memref<48x36xf32, #tpu.memory_space<vmem>>, %arg4: memref<1024x36xf32, #tpu.memory_space<vmem>>, %arg5: memref<1024x64xi32, #tpu.memory_space<vmem>>) attributes {dimension_semantics = [#tpu.dimension_semantics<arbitrary>], iteration_bounds = array<i64: 8>, scalar_prefetch = 0 : i64, scratch_operands = 1 : i64, tpu.core_type = #tpu.core_type<tc>, window_params = [{transform_indices = @transform_0, window_bounds = array<i64: 8192, 64>}, {transform_indices = @transform_1, window_bounds = array<i64: 1024, 8192>}, {pipeline_mode = #tpu.pipeline_mode<synchronous>, transform_indices = @transform_2, window_bounds = array<i64: 48, 36>}, {pipeline_mode = #tpu.pipeline_mode<synchronous>, transform_indices = @transform_3, window_bounds = array<i64: 1024, 36>}]} {
    %eq3A = arith.constant 0 : i32
    %eq3A_0 = arith.cmpi eq, %arg0, %eq3A : i32
    %convert_element_type3A = arith.extui %eq3A_0 : i1 to i32
    %cond3A = arith.constant 0 : i32
    %cond3A_1 = arith.cmpi ne, %convert_element_type3A, %cond3A : i32
    scf.if %cond3A_1 {
      %broadcast_in_dim3A = arith.constant 0 : i32
      %broadcast_in_dim3A_24 = vector.broadcast %broadcast_in_dim3A : i32 to vector<1024x64xi32>
      %swap3A_25 = arith.constant 0 : index
      %swap3A_26 = arith.constant 0 : index
      %swap3A_27 = vector.load %arg5[%swap3A_25, %swap3A_26] : memref<1024x64xi32, #tpu.memory_space<vmem>>, vector<1024x64xi32>
      tpu.vector_store %arg5[%swap3A_25, %swap3A_26], %broadcast_in_dim3A_24 {strides = array<i32>} : memref<1024x64xi32, #tpu.memory_space<vmem>>, vector<1024x64xi32>,
    } else {
    }
    %iota3A = tpu.iota {dimensions = array<i32: 1>} : vector<1x64xi32>
    %and3A = arith.constant 7 : i32
    %and3A_2 = vector.broadcast %and3A : i32 to vector<1x64xi32>
    %and3A_3 = arith.andi %iota3A, %and3A_2 : vector<1x64xi32>
    %convert_element_type3A_4 = arith.trunci %and3A_3 : vector<1x64xi32> to vector<1x64xi8>
    %get3A = arith.constant 0 : index
    %get3A_5 = arith.constant 0 : index
    %get3A_6 = vector.load %arg1[%get3A, %get3A_5] : memref<8192x64xi8, #tpu.memory_space<vmem>>, vector<8192x64xi8>
    %eq3A_7 = vector.broadcast %convert_element_type3A_4 : vector<1x64xi8> to vector<8192x64xi8>
    %eq3A_8 = arith.cmpi eq, %get3A_6, %eq3A_7 : vector<8192x64xi8>
    %convert_element_type3A_9 = arith.extui %eq3A_8 : vector<8192x64xi1> to vector<8192x64xi8>
    %get3A_10 = arith.constant 0 : index
    %get3A_11 = arith.constant 0 : index
    %get3A_12 = vector.load %arg5[%get3A_10, %get3A_11] : memref<1024x64xi32, #tpu.memory_space<vmem>>, vector<1024x64xi32>
    %get3A_13 = arith.constant 0 : index
    %get3A_14 = arith.constant 0 : index
    %get3A_15 = vector.load %arg2[%get3A_13, %get3A_14] : memref<1024x8192xi8, #tpu.memory_space<vmem>>, vector<1024x8192xi8>
    %dot_general3A = arith.constant dense<0> : vector<1024x64xi32>
    %dot_general3A_16 = tpu.matmul %get3A_15, %convert_element_type3A_9, %dot_general3A {dimension_numbers = #tpu.dot_dimension_numbers<[1], [0], [0], [1], [0, 0, 1, 1], [], []>, transpose_lhs_hint = false} : vector<1024x8192xi8>, vector<8192x64xi8>, vector<1024x64xi32> -> vector<1024x64xi32>
    %add3A = arith.addi %get3A_12, %dot_general3A_16 : vector<1024x64xi32>
    %swap3A = arith.constant 0 : index
    %swap3A_17 = arith.constant 0 : index
    %swap3A_18 = vector.load %arg5[%swap3A, %swap3A_17] : memref<1024x64xi32, #tpu.memory_space<vmem>>, vector<1024x64xi32>
    tpu.vector_store %arg5[%swap3A, %swap3A_17], %add3A {strides = array<i32>} : memref<1024x64xi32, #tpu.memory_space<vmem>>, vector<1024x64xi32>,
    %eq3A_19 = arith.constant 7 : i32
    %eq3A_20 = arith.cmpi eq, %arg0, %eq3A_19 : i32
    %convert_element_type3A_21 = arith.extui %eq3A_20 : i1 to i32
    %cond3A_22 = arith.constant 0 : i32
    %cond3A_23 = arith.cmpi ne, %convert_element_type3A_21, %cond3A_22 : i32
    scf.if %cond3A_23 {
      %get3A_24 = arith.constant 0 : index
      %get3A_25 = arith.constant 0 : index
      %get3A_26 = vector.load %arg5[%get3A_24, %get3A_25] : memref<1024x64xi32, #tpu.memory_space<vmem>>, vector<1024x64xi32>
      %convert_element_type3A_27 = arith.sitofp %get3A_26 : vector<1024x64xi32> to vector<1024x64xf32>
      %slice3A = vector.extract_strided_slice %convert_element_type3A_27 {offsets = [0, 48], sizes = [1024, 1], strides = [1, 1]} : vector<1024x64xf32> to vector<1024x1xf32>
      %max3A = arith.constant 1.000000e+00 : f32
      %max3A_28 = vector.broadcast %max3A : f32 to vector<1024x1xf32>
      %max3A_29 = arith.maximumf %slice3A, %max3A_28 : vector<1024x1xf32>
      %slice3A_30 = vector.extract_strided_slice %convert_element_type3A_27 {offsets = [0, 0], sizes = [1024, 48], strides = [1, 1]} : vector<1024x64xf32> to vector<1024x48xf32>
      %get3A_31 = arith.constant 0 : index
      %get3A_32 = arith.constant 0 : index
      %get3A_33 = vector.load %arg3[%get3A_31, %get3A_32] : memref<48x36xf32, #tpu.memory_space<vmem>>, vector<48x36xf32>
      %dot_general3A_34 = arith.constant dense<0.000000e+00> : vector<1024x36xf32>
      %dot_general3A_35 = tpu.matmul %slice3A_30, %get3A_33, %dot_general3A_34 {dimension_numbers = #tpu.dot_dimension_numbers<[1], [0], [0], [1], [0, 0, 1, 1], [], []>, transpose_lhs_hint = false} : vector<1024x48xf32>, vector<48x36xf32>, vector<1024x36xf32> -> vector<1024x36xf32>
      %div3A = vector.broadcast %max3A_29 : vector<1024x1xf32> to vector<1024x36xf32>
      %div3A_36 = arith.divf %dot_general3A_35, %div3A : vector<1024x36xf32>
      %swap3A_37 = arith.constant 0 : index
      %swap3A_38 = arith.constant 0 : index
      %swap3A_39 = vector.load %arg4[%swap3A_37, %swap3A_38] : memref<1024x36xf32, #tpu.memory_space<vmem>>, vector<1024x36xf32>
      tpu.vector_store %arg4[%swap3A_37, %swap3A_38], %div3A_36 {strides = array<i32>} : memref<1024x36xf32, #tpu.memory_space<vmem>>, vector<1024x36xf32>,
    } else {
    }
    return
  }
  func.func @transform_0(%arg0: i32) -> (i32, i32) {
    %c0_i32 = arith.constant 0 : i32
    %c0_i32_0 = arith.constant 0 : i32
    return %arg0, %c0_i32 : i32, i32
  }
  func.func @transform_1(%arg0: i32) -> (i32, i32) {
    %c0_i32 = arith.constant 0 : i32
    %c0_i32_0 = arith.constant 0 : i32
    return %c0_i32, %arg0 : i32, i32
  }
  func.func @transform_2(%arg0: i32) -> (i32, i32) {
    %c0_i32 = arith.constant 0 : i32
    %c0_i32_0 = arith.constant 0 : i32
    %c0_i32_1 = arith.constant 0 : i32
    return %c0_i32, %c0_i32_0 : i32, i32
  }
  func.func @transform_3(%arg0: i32) -> (i32, i32) {
    %c0_i32 = arith.constant 0 : i32
    %c0_i32_0 = arith.constant 0 : i32
    %c0_i32_1 = arith.constant 0 : i32
    return %c0_i32, %c0_i32_0 : i32, i32
  }
}

</mosaic_0001>

<sc_bundles>
// kernel: sparse-core-data-format-call.1.cloned.1.call-start
scs
called_computation.1_lowered:
.L_overlay_start_0:
0x0: {  	s1 =	sld [smem:$0x3FD9]  }
0x1: {  	s2 =	sld [smem:$0x3FFE];
	_ =	sdelay $0x1  }
0x2: {  	s3 =	srdreg.scid  }
0x3: {  	s0 =	sand.u32 $0x1, s3  }
0x4: {  	s17 =	sshll.u32 s0, $0xA;
	s1 =	sadd.s32 s2, s1  }
0x5: {  	s1 =	sadd.s32 s1, s17  }
0x6: {  	[smem:$0x3FBF] =	sst s1  }
0x7: {  	_ = 	snop  }
0x8: {  	(tm) =	ssettm $0x1  }
0x9: {  	s18 =	sld [smem:$0x3FFB];
	_ =	sdelay $0x3  }
0xa: {  	_ =	strace s18  }
0xb: {  	s1 =	sld [smem:$0x3FFC];
	_ =	sdelay $0x3  }
0xc: {  	_ =	strace s1  }
0xd: {  	s1 =	sld [smem:$0x3FFD];
	_ =	sdelay $0x3  }
0xe: {  	_ =	strace s1  }
0xf: {  	_ =	strace $0x8FFFFFFF  }
0x10: {  	s19 =	sld [smem:$0x3FDB];
	_ =	sdelay $0x1  }
0x11: {  	s20 =	simm.s32 $_scs_section_size  }
0x12: {  	s4 =	simm.s32 $_size__tile_overlayer_lowered;
	s5 =	simm.s32 $_tile_overlayer_lowered  }
0x13: {  	s23 =	simm.s32 $0x1BFF;
	s22 =	sshll.u32 s5, $0x1;
	s1 =	sadd.s32 s20, s19  }
0x14: {  	s6 =	simm.s32 $0x0;
	s21 =	sshll.u32 s4, $0x1;
	s4 =	sadd.s32 s22, s1  }
0x15: {  	[timem:s6], [sflag:s23] =	dma.local [hbm:s4], s21  }
0x16: {  	_ =	swait.ge [sflag:s23], s21  }
0x17: {  	s2 =	ssub.s32 $0x0, s21;
	[sflag:s23] =	ssyncset.done $0x0  }
0x18: {  	[sflag:s23] =	ssyncadd.s32 s2;
	_ =	sdelay $0x1  }
0x19: {  	s24 =	simm.s32 $0x1B8B  }
0x1a: {  	_ =	swait.ge [sflag:s24], $0x1  }
0x1b: {  	[sflag:s24] =	ssyncset.done $0x0  }
0x1c: {  	s26 =	simm.s32 $0x1B8E;
	s25 =	sld [smem:$0x3FFE];
	[sflag:s24] =	ssyncadd.s32 $0xFFFFFFFF  }
0x1d: {  	s27 =	simm.s32 $execute0_lowered;
	[smem:$0x3FD2] =	sst s26  }
0x1e: {  	s4 =	sshll.u32 s27, $0x1;
	_ =	strace $0x80000046;
	[dreg:$0x1] =	wrdreg $0xFFFFFFFF  }
0x1f: {  	s28 =	simm.s32 $_size_execute0_lowered;
	s1 =	sadd.s32 s1, s4;
	[dreg:$0x0] =	wrdreg $0x0  }
0x20: {  	s4 =	sshll.u32 s28, $0x1;
	[dreg:$0x2] =	wrdreg s1  }
0x21: {  	[dreg:$0x3] =	wrdreg s4  }
0x22: {  	[dreg:$0x4] =	wrdreg $0xC0  }
0x23: {  	_ =	task [dreg:s6], $0x5FFFF  }
0x24: {  	[dreg:$0x1] =	wrdreg $0xFFFFFFFF  }
0x25: {  	[dreg:$0x0] =	wrdreg $0x60  }
0x26: {  	[dreg:$0x2] =	wrdreg s25  }
0x27: {  	[dreg:$0x3] =	wrdreg $0x9  }
0x28: {  	_ =	task.clear_ibuf [dreg:s6], $0x4FFFF;
	_ =	strace $0x90000046  }
0x29: {  	s29 =	simm.s32 $0x9;
	_ =	strace $0x80000048  }
0x2a: {  	_ =	swait.ge [sflag:s29], $0x1  }
0x2b: {  	[sflag:s29] =	ssyncadd.s32 $0xFFFFFFFF  }
0x2c: {  	_ =	strace $0x90000048  }
0x2d: {  	_ =	sfence  }
0x2e: {  	s30 =	sld [smem:$0x0];
	_ =	sdelay $0x2  }
0x2f: {  	s31 =	sshll.u32 s3, $0xD;
	s3 =	sshrl.u32 s3, $0x2  }
0x30: {  	s2 =	sand.u32 $0x4000, s31;
	s1 =	sadd.s32 s3, s30  }
0x31: {  	s0 =	sor.u32 s2, s0;
	s1 =	sshll.u32 s1, $0x11  }
0x32: {  	s0 =	sor.u32 s1, s0  }
0x33: {  	s0 =	sadd.s32 $0x8F2B, s0  }
0x34: {  	[sflag:s0] =	ssyncadd.remote.s32 $0x1  }
0x35: {  	_ =	sfence.sel $0xFFFF  }
0x36: {  	[dreg:$0x0] =	wrdreg $0xFFFFFFFF;
	(pc) =	sbr.abs _section_cstart, $3  }
0x37: {  	[dreg:$0x1] =	wrdreg $0xFFFFFFFF  }
0x38: {  	_ =	task.clear_ibuf [dreg:s6], $0x2FFFF;
	_ =	strace $0x9FFFFFFF  }
0x39: {  	(tm) =	ssettm $0x7FFFFFFF  }
tec
execute0_lowered:
.L_overlay_start_1:
0x0: {  	(tag) =	ssettag $0x1  }
0x1: {  	s0 =	stileid.u32;
	s1 =	srdreg.scid  }
0x2: {  	s7 =	rddreg [dreg:$0x0];
	s31 =	simm.s32 $0x2;
	s14 =	simm.s32 $0x0  }
0x3: {  	s13 =	simm.s32 $0x0;
	s12 =	simm.s32 $0x0;
	s2 =	sshll.u32 s0, $0x7  }
0x4: {  	s3 =	sshll.u32 s0, $0x4;
	s1 =	sshll.u32 s1, $0x8;
	s2 =	sand.u32 $0x380, s2  }
0x5: {  	s3 =	sor.u32 s3, s1;
	s1 =	rddreg [dreg:$0x1];
	_ =	strace $0x80000047  }
0x6: {  	s3 =	sand.u32 $0x180, s3;
	s4 =	ssub.s32 $0x400, s2;
	s11 =	smov.u32 s2  }
0x7: {  	s5 =	sand.u32 $0x380, s4;
	s6 =	ssub.s32 $0x4000, s3;
	s9 =	sshrl.u32 s4, $0xA  }
0x8: {  	p0 =	sne.s32 s5, $0x0;
	s5 =	simm.s32 $0x1;
	s8 =	sand.u32 $0x180, s6  }
0x9: {  	s5 =	simm.s32 @!p0 $0x0;
	p0 =	sne.s32 s8, $0x0;
	s8 =	simm.s32 $0x1  }
.Ltmp0:
0xa: {  	s6 =	sshrl.u32 s6, $0x9;
	s8 =	simm.s32 @!p0 $0x0;
	(pc) =	sbr.rel .LBB1_1-.Ltmp0, $4  }
0xb: {  	s4 =	simm.s32 $0x1;
	s5 =	sadd.s32 s5, s9;
	s6 =	sadd.s32 s8, s6  }
0xc: {  	s10 =	smov.u32 s3;
	[sflag:s4] =	ssyncpa.u1 $0x0;
	s5 =	smul.u32 s5, s6  }
0xd: {  	[sflag:s31] =	ssyncpa.u1 $0x0;
	p0 =	por $0x0, $0x0;
	s9 =	simm.s32 $0x2000  }
0xe: {  	s6 =	sadd.s32 $0x2200, s7;
	s7 =	sadd.s32 $0x202200, s7;
	s8 =	sadd.s32 $0x1, s5  }
.LBB1_4:
0xf: {  	v5 =	vld [tilespmem:s18+$0xFFFFFFD0];
	[tilespmem:s17+$0x2040 ss:$0x81] =	vst.msk $0xffff, v1  }
0x10: {  	v58 =	vld [tilespmem:s18+$0xFFFFFFE0];
	[tilespmem:s17+$0x2850 ss:$0x81] =	vst.msk $0xffff, v2  }
0x11: {  	s19 =	sshra.s32 s19, $0x2;
	v59 =	vld [tilespmem:s18+$0xFFFFFFF0];
	[tilespmem:s17+$0x3060 ss:$0x81] =	vst.msk $0xffff, v3  }
0x12: {  	v60 =	vld [tilespmem:s18+$0x0];
	[tilespmem:s17+$0x0 ss:$0x81] =	vst.msk $0xffff, v0;
	s16 =	sadd.s32 s19, s16  }
0x13: {  	v61 =	vld [tilespmem:s18+$0x10];
	[tilespmem:s16+$0x3870 ss:$0x81] =	vst.msk $0xffff, v4  }
0x14: {  	v62 =	vld [tilespmem:s18+$0x20];
	s26 =	sshll.u32 s14, $0xA;
	s27 =	sshll.u32 s13, $0x3;
	[tilespmem:s16+$0x810 ss:$0x81] =	vst.msk $0xffff, v5  }
0x15: {  	v63 =	vld [tilespmem:s18+$0xFFFFFFC0];
	s29 =	sshll.u32 s14, $0x7;
	s17 =	sand.u32 $0xFFE000, s26;
	s28 =	sand.u32 $0xFFFC00, s27;
	[tilespmem:s16+$0x1020 ss:$0x81] =	vst.msk $0xffff, v58  }
0x16: {  	s30 =	sand.u32 $0x78, s13;
	s14 =	sand.u32 $0x380, s29;
	s17 =	sadd.s32 s28, s17;
	[tilespmem:s16+$0x1830 ss:$0x81] =	vst.msk $0xffff, v59  }
0x17: {  	s14 =	sor.u32 s30, s14;
	s17 =	sand.u32 $0xFFFC00, s17;
	[tilespmem:s16+$0x2040 ss:$0x81] =	vst.msk $0xffff, v60  }
0x18: {  	s31 =	sand.u32 $0x7, s13;
	s14 =	sor.u32 s17, s14;
	[tilespmem:s16+$0x2850 ss:$0x81] =	vst.msk $0xffff, v61  }
0x19: {  	s13 =	sshll.u32 s31, $0x12;
	[tilespmem:s16+$0x3060 ss:$0x81] =	vst.msk $0xffff, v62;
	s14 =	sshrl.u32 s14, $0x3  }
0x1a: {  	s13 =	sor.u32 $0x400, s13;
	[tilespmem:s16+$0x0 ss:$0x81] =	vst.msk $0xffff, v63;
	s14 =	sadd.s32 s7, s14  }
0x1b: {  	[hbm4b:s14+s13] =	stream.strided.scatter [tilespmem:s15], [sflag:$0x2], $0x4000, s9, s13, $0x20;
	[tilespmem:$0x10100] =	vst v63  }
.LBB1_5:
0x1c: {  	s15 =	sadd.s32 $0x200, s10  }
0x1d: {  	s13 =	sadd.s32 $0x400, s11;
	s17 =	smov.u32 s11;
	p2 =	sgt.s32 s15, $0x3FFF  }
0x1e: {  	s17 =	smov.u32 @p2 s13  }
0x1f: {  	s15 =	smov.u32 @p2 s3;
	p2 =	sgt.s32 s17, $0x3FF  }
0x20: {  	s17 =	smov.u32 @p2 s2;
	p2 =	sne.s32 s12, s8  }
.Ltmp1:
0x21: {  	p1 =	slt.u32 s12, $0x2;
	(pc) =	sbr.rel @!p2 .LBB1_6-.Ltmp1, $4  }
0x22: {  	s16 =	simm.s32 @!p1 $0x2  }
0x23: {  	s14 =	smov.u32 s10;
	p0 =	por !p0, !p0;
	_ =	swait.ge @!p1 [sflag:s16], $0x4000  }
0x24: {  	s13 =	smov.u32 s11;
	[sflag:s16] =	ssyncset.done @!p1 $0x0;
	s10 =	smov.u32 s15  }
0x25: {  	s12 =	sadd.s32 $0x1, s12;
	[sflag:s16] =	ssyncadd.s32 @!p1 $0xFFFFC000;
	s11 =	smov.u32 s17  }
.LBB1_1:
0x26: {  	p1 =	sge.u32 s12, s5;
	s31 =	sadd.s32 $0xFFFFFFFF, s12  }
0x27: {  	s15 =	sand.u32 @!p1 $0x78, s10;
	s16 =	sshll.u32 @!p1 s11, $0xE;
	s17 =	sshll.u32 @!p1 s11, $0x7  }
0x28: {  	s18 =	sshll.u32 @!p1 s10, $0x3;
	s16 =	sand.u32 @!p1 $0xFE0000, s16;
	s17 =	sand.u32 @!p1 $0x380, s17  }
0x29: {  	s16 =	sadd.s32 @!p1 s16, s18;
	s18 =	sand.u32 @!p1 $0x3C00, s18;
	s15 =	sor.u32 @!p1 s17, s15  }
0x2a: {  	s17 =	sxor.u32 @!p1 $0xFFFFFFFF, s12;
	s16 =	sand.u32 @!p1 $0xFFC000, s16;
	s15 =	sor.u32 @!p1 s18, s15  }
0x2b: {  	s17 =	sshll.u32 @!p1 s17, $0xE;
	s15 =	sor.u32 @!p1 s16, s15;
	s16 =	sand.u32 @!p1 $0x7, s10  }
0x2c: {  	s18 =	simm.s32 @!p1 $0x20000;
	s15 =	sshrl.u32 @!p1 s15, $0x3;
	s16 =	sshll.u32 @!p1 s16, $0x12  }
0x2d: {  	s17 =	sand.u32 @!p1 $0x4000, s17;
	s15 =	sadd.s32 @!p1 s6, s15;
	s16 =	sor.u32 @!p1 $0x400, s16  }
0x2e: {  	[tilespmem:s17], [sflag:$0x1] =	stream.strided.gather @!p1 [hbm4b:s15+s16], $0x4000, s18, s16, $0x38;
	[tilespmem:$0x10100] =	vst v63  }
0x2f: {  	p1 =	sge.u32 s31, s5  }
.Ltmp2:
0x30: {  	_ = 	snop;
	(pc) =	sbr.rel @p1 .LBB1_5-.Ltmp2, $1  }
0x31: {  	_ =	sdelay $0x3  }
0x32: {  	s15 =	simm.s32 $0x1  }
0x33: {  	_ =	swait.ge [sflag:s4], $0x4000;
	s15 =	simm.s32 @!p0 $0x0  }
0x34: {  	[sflag:s4] =	ssyncset.done $0x0;
	s16 =	sshll.u32 s15, $0xE  }
0x35: {  	[sflag:s4] =	ssyncadd.s32 $0xFFFFC000;
	s18 =	sor.u32 $0x40, s16  }
0x36: {  	s15 =	smul.u32 $0x10200, s15;
	v0 =	vld [tilespmem:s18+$0x30]  }
0x37: {  	v3 =	vld [tilespmem:s18+$0xFFFFFFD0]  }
0x38: {  	s15 =	sshrl.u32 s15, $0x2;
	v4 =	vld [tilespmem:s18+$0xFFFFFFE0]  }
0x39: {  	v5 =	vld [tilespmem:s18+$0xFFFFFFF0];
	s16 =	sor.u32 $0x8000, s15  }
0x3a: {  	s31 =	sand.u32 $0x1, s12;
	v1 =	vld [tilespmem:s18+$0x0];
	s17 =	sadd.s32 $0x0, s16  }
0x3b: {  	v2 =	vld [tilespmem:s18+$0x10];
	s15 =	smul.u32 $0x10200, s31;
	[tilespmem:s17+$0x3870 ss:$0x81] =	vst.msk $0xffff, v0  }
0x3c: {  	[tilespmem:s17+$0x810 ss:$0x81] =	vst.msk $0xffff, v3;
	v3 =	vld [tilespmem:s18+$0x20]  }
0x3d: {  	s15 =	sshrl.u32 s15, $0x2;
	v0 =	vld [tilespmem:s18+$0xFFFFFFC0];
	[tilespmem:s17+$0x1020 ss:$0x81] =	vst.msk $0xffff, v4;
	s18 =	sadd.s32 $0x80, s18  }
0x3e: {  	s19 =	simm.s32 $0x4;
	s20 =	simm.s32 $0x8;
	s15 =	sor.u32 $0x8000, s15;
	[tilespmem:s17+$0x1830 ss:$0x81] =	vst.msk $0xffff, v5;
	v4 =	vld [tilespmem:s18+$0x30]  }
.LBB1_3:
0x3f: {  	p1 =	sne.s32 s20, $0x1FC;
	v5 =	vld [tilespmem:s18+$0xFFFFFFD0];
	[tilespmem:s17+$0x2040 ss:$0x81] =	vst.msk $0xffff, v1  }
0x40: {  	v6 =	vld [tilespmem:s18+$0xFFFFFFE0];
	[tilespmem:s17+$0x2850 ss:$0x81] =	vst.msk $0xffff, v2  }
0x41: {  	s21 =	sshra.s32 s19, $0x2;
	s19 =	smov.u32 s20;
	v7 =	vld [tilespmem:s18+$0xFFFFFFF0];
	[tilespmem:s17+$0x3060 ss:$0x81] =	vst.msk $0xffff, v3  }
.Ltmp3:
0x42: {  	v1 =	vld [tilespmem:s18+$0x0];
	[tilespmem:s17+$0x0 ss:$0x81] =	vst.msk $0xffff, v0;
	s17 =	sadd.s32 s21, s16;
	(pc) =	sbr.rel @p1 .LBB1_3-.Ltmp3, $4  }
0x43: {  	v2 =	vld [tilespmem:s18+$0x10];
	[tilespmem:s17+$0x3870 ss:$0x81] =	vst.msk $0xffff, v4  }
0x44: {  	[tilespmem:s17+$0x810 ss:$0x81] =	vst.msk $0xffff, v5;
	v3 =	vld [tilespmem:s18+$0x20]  }
0x45: {  	v0 =	vld [tilespmem:s18+$0xFFFFFFC0];
	[tilespmem:s17+$0x1020 ss:$0x81] =	vst.msk $0xffff, v6;
	s18 =	sadd.s32 $0x80, s18  }
0x46: {  	s20 =	sadd.s32 $0x4, s20;
	v4 =	vld [tilespmem:s18+$0x30];
	[tilespmem:s17+$0x1830 ss:$0x81] =	vst.msk $0xffff, v7  }
.Ltmp4:
0x47: {  	_ = 	snop;
	(pc) =	sbr.rel .LBB1_4-.Ltmp4, $1  }
0x48: {  	_ =	sdelay $0x3  }
.LBB1_6:
0x49: {  	_ =	sfence.sel $0x180000  }
0x4a: {  	s2 =	simm.s32 $0x1;
	[bflag:$0x0] =	sbarrier.arrive $0xFFFF  }
0x4b: {  	s31 =	simm.s32 $0x2;
	[sflag:s2] =	ssyncpa.u1 $0x1  }
0x4c: {  	[sflag:s31] =	ssyncpa.u1 $0x1  }
0x4d: {  	p0 =	sne.s32 s0, $0x0;
	_ =	strace $0x90000047  }
0x4e: {  	s0 =	sadd.s32 @!p0 $0x100000, s1;
	[bflag:$0x2] =	sbarrier.arrive $0xFFFF  }
0x4f: {  	[sflag:s0] =	ssyncadd.tile.s32 @!p0 $0x1;
	_ =	shalt  }
.Lfunc_end1:
_tile_overlayer_lowered:
.L_overlay_start_2:
0x50: {  	(tag) =	ssettag $0x2  }
0x51: {  	s0 =	rddreg [dreg:$0x0];
	s2 =	stileid.u32  }
0x52: {  	s1 =	rddreg [dreg:$0x1];
	p0 =	sne.s32 s2, $0x0  }
0x53: {  	s3 =	rddreg [dreg:$0x2];
	[bflag:$0x3] =	sbarrier.arrive $0xFFFF;
	s2 =	simm.s32 @!p0 $0x1C01  }
0x54: {  	[timem:s3], [sflag:s2] =	dma.local @!p0 [hbm:s0], s1  }
0x55: {  	s0 =	simm.s32 @!p0 $0x1  }
0x56: {  	_ =	swait.ge @!p0 [sflag:s0], s1  }
0x57: {  	s1 =	ssub.s32 @!p0 $0x0, s1;
	[sflag:s0] =	ssyncset.done @!p0 $0x0  }
0x58: {  	[sflag:s0] =	ssyncadd.s32 @!p0 s1  }
0x59: {  	[bflag:$0x3] =	sbarrier.arrive $0xFFFF  }
0x5a: {  	_ =	shalt  }

// kernel: sparse-core-data-format-call.cloned.1.call-start
scs
called_computation_lowered:
.L_overlay_start_0:
0x0: {  	s1 =	sld [smem:$0x3FD9]  }
0x1: {  	s2 =	sld [smem:$0x3FFE];
	_ =	sdelay $0x1  }
0x2: {  	s3 =	srdreg.scid  }
0x3: {  	s0 =	sand.u32 $0x1, s3  }
0x4: {  	s17 =	sshll.u32 s0, $0xA;
	s1 =	sadd.s32 s2, s1  }
0x5: {  	s1 =	sadd.s32 s1, s17  }
0x6: {  	[smem:$0x3FBF] =	sst s1  }
0x7: {  	_ = 	snop  }
0x8: {  	(tm) =	ssettm $0x1  }
0x9: {  	s18 =	sld [smem:$0x3FFB];
	_ =	sdelay $0x3  }
0xa: {  	_ =	strace s18  }
0xb: {  	s1 =	sld [smem:$0x3FFC];
	_ =	sdelay $0x3  }
0xc: {  	_ =	strace s1  }
0xd: {  	s1 =	sld [smem:$0x3FFD];
	_ =	sdelay $0x3  }
0xe: {  	_ =	strace s1  }
0xf: {  	_ =	strace $0x8FFFFFFF  }
0x10: {  	s19 =	sld [smem:$0x3FDB];
	_ =	sdelay $0x1  }
0x11: {  	s20 =	simm.s32 $_scs_section_size  }
0x12: {  	s4 =	simm.s32 $_size__tile_overlayer_lowered;
	s5 =	simm.s32 $_tile_overlayer_lowered  }
0x13: {  	s23 =	simm.s32 $0x1BFF;
	s22 =	sshll.u32 s5, $0x1;
	s1 =	sadd.s32 s20, s19  }
0x14: {  	s6 =	simm.s32 $0x0;
	s21 =	sshll.u32 s4, $0x1;
	s4 =	sadd.s32 s22, s1  }
0x15: {  	[timem:s6], [sflag:s23] =	dma.local [hbm:s4], s21  }
0x16: {  	_ =	swait.ge [sflag:s23], s21  }
0x17: {  	s2 =	ssub.s32 $0x0, s21;
	[sflag:s23] =	ssyncset.done $0x0  }
0x18: {  	[sflag:s23] =	ssyncadd.s32 s2;
	_ =	sdelay $0x1  }
0x19: {  	s24 =	simm.s32 $0x1B8B  }
0x1a: {  	_ =	swait.ge [sflag:s24], $0x1  }
0x1b: {  	[sflag:s24] =	ssyncset.done $0x0  }
0x1c: {  	s26 =	simm.s32 $0x1B8E;
	s25 =	sld [smem:$0x3FFE];
	[sflag:s24] =	ssyncadd.s32 $0xFFFFFFFF  }
0x1d: {  	s27 =	simm.s32 $execute0_lowered;
	[smem:$0x3FD2] =	sst s26  }
0x1e: {  	s4 =	sshll.u32 s27, $0x1;
	_ =	strace $0x80000049;
	[dreg:$0x1] =	wrdreg $0xFFFFFFFF  }
0x1f: {  	s28 =	simm.s32 $_size_execute0_lowered;
	s1 =	sadd.s32 s1, s4;
	[dreg:$0x0] =	wrdreg $0x0  }
0x20: {  	s4 =	sshll.u32 s28, $0x1;
	[dreg:$0x2] =	wrdreg s1  }
0x21: {  	[dreg:$0x3] =	wrdreg s4  }
0x22: {  	[dreg:$0x4] =	wrdreg $0xC0  }
0x23: {  	_ =	task [dreg:s6], $0x5FFFF  }
0x24: {  	[dreg:$0x1] =	wrdreg $0xFFFFFFFF  }
0x25: {  	[dreg:$0x0] =	wrdreg $0x60  }
0x26: {  	[dreg:$0x2] =	wrdreg s25  }
0x27: {  	[dreg:$0x3] =	wrdreg $0x9  }
0x28: {  	_ =	task.clear_ibuf [dreg:s6], $0x4FFFF;
	_ =	strace $0x90000049  }
0x29: {  	s29 =	simm.s32 $0x9;
	_ =	strace $0x8000004B  }
0x2a: {  	_ =	swait.ge [sflag:s29], $0x1  }
0x2b: {  	[sflag:s29] =	ssyncadd.s32 $0xFFFFFFFF  }
0x2c: {  	_ =	strace $0x9000004B  }
0x2d: {  	_ =	sfence  }
0x2e: {  	s30 =	sld [smem:$0x0];
	_ =	sdelay $0x2  }
0x2f: {  	s31 =	sshll.u32 s3, $0xD;
	s3 =	sshrl.u32 s3, $0x2  }
0x30: {  	s2 =	sand.u32 $0x4000, s31;
	s1 =	sadd.s32 s3, s30  }
0x31: {  	s0 =	sor.u32 s2, s0;
	s1 =	sshll.u32 s1, $0x11  }
0x32: {  	s0 =	sor.u32 s1, s0  }
0x33: {  	s0 =	sadd.s32 $0x8F2B, s0  }
0x34: {  	[sflag:s0] =	ssyncadd.remote.s32 $0x1  }
0x35: {  	_ =	sfence.sel $0xFFFF  }
0x36: {  	[dreg:$0x0] =	wrdreg $0xFFFFFFFF;
	(pc) =	sbr.abs _section_cstart, $3  }
0x37: {  	[dreg:$0x1] =	wrdreg $0xFFFFFFFF  }
0x38: {  	_ =	task.clear_ibuf [dreg:s6], $0x2FFFF;
	_ =	strace $0x9FFFFFFF  }
0x39: {  	(tm) =	ssettm $0x7FFFFFFF  }
tec
execute0_lowered:
.L_overlay_start_1:
0x0: {  	(tag) =	ssettag $0x1  }
0x1: {  	s0 =	srdreg.scid  }
0x2: {  	s1 =	sshll.u32 s0, $0x4  }
0x3: {  	s6 =	rddreg [dreg:$0x0];
	s0 =	stileid.u32;
	s1 =	sand.u32 $0x10, s1  }
0x4: {  	s5 =	simm.s32 $0x1;
	s31 =	simm.s32 $0x2;
	s1 =	sor.u32 s0, s1  }
0x5: {  	s13 =	simm.s32 $0x0;
	s8 =	simm.s32 $0x80000;
	s2 =	sshll.u32 s1, $0x7  }
0x6: {  	s12 =	simm.s32 $0x0;
	s9 =	simm.s32 $0x0;
	s3 =	ssub.s32 $0x10000, s2  }
0x7: {  	s11 =	simm.s32 $0x0;
	s1 =	rddreg [dreg:$0x1];
	s4 =	sand.u32 $0xF80, s3  }
.Ltmp0:
0x8: {  	_ =	strace $0x8000004A;
	p0 =	sne.s32 s4, $0x0;
	(pc) =	sbr.rel .LBB1_1-.Ltmp0, $4  }
0x9: {  	s10 =	smov.u32 s2;
	s7 =	sshrl.u32 s3, $0xC;
	s5 =	simm.s32 @!p0 $0x0  }
0xa: {  	s3 =	sadd.s32 $0xC02200, s6;
	s4 =	simm.s32 $0x1;
	s5 =	sadd.s32 s5, s7  }
0xb: {  	s6 =	sadd.s32 $0x2200, s6;
	[sflag:s4] =	ssyncpa.u1 $0x0;
	s5 =	sshll.u32 s5, $0x3  }
0xc: {  	p0 =	por $0x0, $0x0;
	[sflag:s31] =	ssyncpa.u1 $0x0;
	s7 =	sor.u32 $0x1, s5  }
.LBB1_4:
0xd: {  	v5 =	vld [tilespmem:s16+$0xFFFFFFD0];
	[tilespmem:s17+$0x2040 ss:$0x81] =	vst.msk $0xffff, v1  }
0xe: {  	v58 =	vld [tilespmem:s16+$0xFFFFFFE0];
	[tilespmem:s17+$0x2850 ss:$0x81] =	vst.msk $0xffff, v2  }
0xf: {  	s18 =	sshra.s32 s18, $0x2;
	v59 =	vld [tilespmem:s16+$0xFFFFFFF0];
	[tilespmem:s17+$0x3060 ss:$0x81] =	vst.msk $0xffff, v3  }
0x10: {  	v60 =	vld [tilespmem:s16+$0x0];
	[tilespmem:s17+$0x0 ss:$0x81] =	vst.msk $0xffff, v0;
	s15 =	sadd.s32 s18, s15  }
0x11: {  	v61 =	vld [tilespmem:s16+$0x10];
	s26 =	sshll.u32 s13, $0x10;
	[tilespmem:s15+$0x3870 ss:$0x81] =	vst.msk $0xffff, v4  }
0x12: {  	v62 =	vld [tilespmem:s16+$0x20];
	s27 =	sand.u32 $0x78, s12;
	s19 =	sshll.u32 s12, $0x3;
	s29 =	sshll.u32 s13, $0x7;
	[tilespmem:s15+$0x810 ss:$0x81] =	vst.msk $0xffff, v5  }
0x13: {  	v63 =	vld [tilespmem:s16+$0xFFFFFFC0];
	s17 =	sand.u32 $0x3F80000, s26;
	s28 =	sand.u32 $0x3FFFC00, s19;
	s19 =	sand.u32 $0xFC00, s19;
	[tilespmem:s15+$0x1020 ss:$0x81] =	vst.msk $0xffff, v58  }
0x14: {  	s13 =	sand.u32 $0x380, s29;
	s16 =	sadd.s32 s28, s17;
	s30 =	sor.u32 s27, s19;
	[tilespmem:s15+$0x1830 ss:$0x81] =	vst.msk $0xffff, v59  }
0x15: {  	s16 =	sand.u32 $0x3FF0000, s16;
	s13 =	sor.u32 s13, s30;
	[tilespmem:s15+$0x2040 ss:$0x81] =	vst.msk $0xffff, v60  }
0x16: {  	s31 =	sand.u32 $0x7, s12;
	s13 =	sor.u32 s16, s13;
	[tilespmem:s15+$0x2850 ss:$0x81] =	vst.msk $0xffff, v61  }
0x17: {  	s12 =	sshll.u32 s31, $0x12;
	[tilespmem:s15+$0x3060 ss:$0x81] =	vst.msk $0xffff, v62;
	s13 =	sshrl.u32 s13, $0x3  }
0x18: {  	s12 =	sor.u32 $0x400, s12;
	[tilespmem:s15+$0x0 ss:$0x81] =	vst.msk $0xffff, v63;
	s13 =	sadd.s32 s6, s13  }
0x19: {  	[hbm4b:s13+s12] =	stream.strided.scatter [tilespmem:s14], [sflag:$0x2], $0x4000, s8, s12, $0x20;
	[tilespmem:$0x10100] =	vst v63  }
.LBB1_5:
0x1a: {  	s14 =	sadd.s32 $0x80, s9  }
0x1b: {  	s12 =	sadd.s32 $0x1000, s10;
	s16 =	smov.u32 s10;
	p2 =	sgt.s32 s14, $0x3FF  }
0x1c: {  	s16 =	smov.u32 @p2 s12  }
0x1d: {  	s14 =	simm.s32 @p2 $0x0;
	p2 =	sgt.s32 s16, $0xFFFF  }
0x1e: {  	s16 =	smov.u32 @p2 s2;
	p2 =	sne.s32 s11, s7  }
.Ltmp1:
0x1f: {  	p1 =	slt.u32 s11, $0x2;
	(pc) =	sbr.rel @!p2 .LBB1_6-.Ltmp1, $4  }
0x20: {  	s15 =	simm.s32 @!p1 $0x2  }
0x21: {  	s13 =	smov.u32 s9;
	p0 =	por !p0, !p0;
	_ =	swait.ge @!p1 [sflag:s15], $0x4000  }
0x22: {  	s12 =	smov.u32 s10;
	[sflag:s15] =	ssyncset.done @!p1 $0x0;
	s9 =	smov.u32 s14  }
0x23: {  	s11 =	sadd.s32 $0x1, s11;
	[sflag:s15] =	ssyncadd.s32 @!p1 $0xFFFFC000;
	s10 =	smov.u32 s16  }
.LBB1_1:
0x24: {  	p1 =	sge.u32 s11, s5  }
0x25: {  	s31 =	sadd.s32 $0xFFFFFFFF, s11;
	s14 =	sshll.u32 @!p1 s10, $0xA  }
0x26: {  	s15 =	sshll.u32 @!p1 s9, $0x3;
	s16 =	sshll.u32 @!p1 s10, $0x7;
	s14 =	sand.u32 @!p1 $0x3FFE000, s14  }
0x27: {  	s17 =	sand.u32 @!p1 $0x78, s9;
	s14 =	sadd.s32 @!p1 s14, s15;
	s15 =	sand.u32 @!p1 $0x380, s16  }
0x28: {  	s16 =	sxor.u32 @!p1 $0xFFFFFFFF, s11;
	s14 =	sand.u32 @!p1 $0x3FFFC00, s14;
	s15 =	sor.u32 @!p1 s15, s17  }
0x29: {  	s16 =	sshll.u32 @!p1 s16, $0xE;
	s14 =	sor.u32 @!p1 s14, s15;
	s15 =	sand.u32 @!p1 $0x7, s9  }
0x2a: {  	s17 =	simm.s32 @!p1 $0x2000;
	s14 =	sshrl.u32 @!p1 s14, $0x3;
	s15 =	sshll.u32 @!p1 s15, $0x12  }
0x2b: {  	s16 =	sand.u32 @!p1 $0x4000, s16;
	s14 =	sadd.s32 @!p1 s3, s14;
	s15 =	sor.u32 @!p1 $0x400, s15  }
0x2c: {  	[tilespmem:s16], [sflag:$0x1] =	stream.strided.gather @!p1 [hbm4b:s14+s15], $0x4000, s17, s15, $0x38;
	[tilespmem:$0x10100] =	vst v63  }
0x2d: {  	p1 =	sge.u32 s31, s5  }
.Ltmp2:
0x2e: {  	_ = 	snop;
	(pc) =	sbr.rel @p1 .LBB1_5-.Ltmp2, $1  }
0x2f: {  	_ =	sdelay $0x3  }
0x30: {  	s14 =	simm.s32 $0x1  }
0x31: {  	_ =	swait.ge [sflag:s4], $0x4000;
	s14 =	simm.s32 @!p0 $0x0  }
0x32: {  	[sflag:s4] =	ssyncset.done $0x0;
	s15 =	sshll.u32 s14, $0xE  }
0x33: {  	[sflag:s4] =	ssyncadd.s32 $0xFFFFC000;
	s16 =	sor.u32 $0x40, s15  }
0x34: {  	s14 =	smul.u32 $0x10200, s14;
	v0 =	vld [tilespmem:s16+$0x30]  }
0x35: {  	v3 =	vld [tilespmem:s16+$0xFFFFFFD0]  }
0x36: {  	s14 =	sshrl.u32 s14, $0x2;
	v4 =	vld [tilespmem:s16+$0xFFFFFFE0]  }
0x37: {  	v5 =	vld [tilespmem:s16+$0xFFFFFFF0];
	s15 =	sor.u32 $0x8000, s14  }
0x38: {  	s31 =	sand.u32 $0x1, s11;
	v1 =	vld [tilespmem:s16+$0x0];
	s17 =	sadd.s32 $0x0, s15  }
0x39: {  	v2 =	vld [tilespmem:s16+$0x10];
	s14 =	smul.u32 $0x10200, s31;
	[tilespmem:s17+$0x3870 ss:$0x81] =	vst.msk $0xffff, v0  }
0x3a: {  	[tilespmem:s17+$0x810 ss:$0x81] =	vst.msk $0xffff, v3;
	v3 =	vld [tilespmem:s16+$0x20]  }
0x3b: {  	s14 =	sshrl.u32 s14, $0x2;
	v0 =	vld [tilespmem:s16+$0xFFFFFFC0];
	[tilespmem:s17+$0x1020 ss:$0x81] =	vst.msk $0xffff, v4;
	s16 =	sadd.s32 $0x80, s16  }
0x3c: {  	s18 =	simm.s32 $0x4;
	s19 =	simm.s32 $0x8;
	s14 =	sor.u32 $0x8000, s14;
	[tilespmem:s17+$0x1830 ss:$0x81] =	vst.msk $0xffff, v5;
	v4 =	vld [tilespmem:s16+$0x30]  }
.LBB1_3:
0x3d: {  	p1 =	sne.s32 s19, $0x1FC;
	v5 =	vld [tilespmem:s16+$0xFFFFFFD0];
	[tilespmem:s17+$0x2040 ss:$0x81] =	vst.msk $0xffff, v1  }
0x3e: {  	v6 =	vld [tilespmem:s16+$0xFFFFFFE0];
	[tilespmem:s17+$0x2850 ss:$0x81] =	vst.msk $0xffff, v2  }
0x3f: {  	s20 =	sshra.s32 s18, $0x2;
	s18 =	smov.u32 s19;
	v7 =	vld [tilespmem:s16+$0xFFFFFFF0];
	[tilespmem:s17+$0x3060 ss:$0x81] =	vst.msk $0xffff, v3  }
.Ltmp3:
0x40: {  	v1 =	vld [tilespmem:s16+$0x0];
	[tilespmem:s17+$0x0 ss:$0x81] =	vst.msk $0xffff, v0;
	s17 =	sadd.s32 s20, s15;
	(pc) =	sbr.rel @p1 .LBB1_3-.Ltmp3, $4  }
0x41: {  	v2 =	vld [tilespmem:s16+$0x10];
	[tilespmem:s17+$0x3870 ss:$0x81] =	vst.msk $0xffff, v4  }
0x42: {  	[tilespmem:s17+$0x810 ss:$0x81] =	vst.msk $0xffff, v5;
	v3 =	vld [tilespmem:s16+$0x20]  }
0x43: {  	v0 =	vld [tilespmem:s16+$0xFFFFFFC0];
	[tilespmem:s17+$0x1020 ss:$0x81] =	vst.msk $0xffff, v6;
	s16 =	sadd.s32 $0x80, s16  }
0x44: {  	s19 =	sadd.s32 $0x4, s19;
	v4 =	vld [tilespmem:s16+$0x30];
	[tilespmem:s17+$0x1830 ss:$0x81] =	vst.msk $0xffff, v7  }
.Ltmp4:
0x45: {  	_ = 	snop;
	(pc) =	sbr.rel .LBB1_4-.Ltmp4, $1  }
0x46: {  	_ =	sdelay $0x3  }
.LBB1_6:
0x47: {  	_ =	sfence.sel $0x180000  }
0x48: {  	s2 =	simm.s32 $0x1;
	[bflag:$0x0] =	sbarrier.arrive $0xFFFF  }
0x49: {  	s31 =	simm.s32 $0x2;
	[sflag:s2] =	ssyncpa.u1 $0x1  }
0x4a: {  	[sflag:s31] =	ssyncpa.u1 $0x1  }
0x4b: {  	p0 =	sne.s32 s0, $0x0;
	_ =	strace $0x9000004A  }
0x4c: {  	s0 =	sadd.s32 @!p0 $0x100000, s1;
	[bflag:$0x2] =	sbarrier.arrive $0xFFFF  }
0x4d: {  	[sflag:s0] =	ssyncadd.tile.s32 @!p0 $0x1;
	_ =	shalt  }
.Lfunc_end1:
_tile_overlayer_lowered:
.L_overlay_start_2:
0x4e: {  	(tag) =	ssettag $0x2  }
0x4f: {  	s0 =	rddreg [dreg:$0x0];
	s2 =	stileid.u32  }
0x50: {  	s1 =	rddreg [dreg:$0x1];
	p0 =	sne.s32 s2, $0x0  }
0x51: {  	s3 =	rddreg [dreg:$0x2];
	[bflag:$0x3] =	sbarrier.arrive $0xFFFF;
	s2 =	simm.s32 @!p0 $0x1C01  }
0x52: {  	[timem:s3], [sflag:s2] =	dma.local @!p0 [hbm:s0], s1  }
0x53: {  	s0 =	simm.s32 @!p0 $0x1  }
0x54: {  	_ =	swait.ge @!p0 [sflag:s0], s1  }
0x55: {  	s1 =	ssub.s32 @!p0 $0x0, s1;
	[sflag:s0] =	ssyncset.done @!p0 $0x0  }
0x56: {  	[sflag:s0] =	ssyncadd.s32 @!p0 s1  }
0x57: {  	[bflag:$0x3] =	sbarrier.arrive $0xFFFF  }
0x58: {  	_ =	shalt  }

</sc_bundles>
